<compile_context>
chip_gen: v7x
topology: tpu7x:2x2x1
jax: 0.10.2.dev20260603
libtpu: 0.0.44.dev20260713+nightly
codegen_flags: <defaults>
</compile_context>

<pallas_src>
import jax
import jax.numpy as jnp
from jax import lax
from jax.experimental import pallas as pl
from jax.experimental.pallas import tpu as pltpu
from jax.experimental.pallas import tpu_sc as plsc


_TOP_K = 2
_CAP_FACTOR = 1.5


def _router_block(x, w1, b1, w2, b2):
    E = w2.shape[1]
    h = jnp.maximum(jnp.dot(x, w1, preferred_element_type=jnp.float32) + b1, 0.0)
    logits = jnp.dot(h, w2, preferred_element_type=jnp.float32) + b2
    m = jnp.max(logits, axis=-1, keepdims=True)
    ex = jnp.exp(logits - m)
    probs = ex / jnp.sum(ex, axis=-1, keepdims=True)

    eidx = jax.lax.broadcasted_iota(jnp.int32, probs.shape, 1)
    m1 = jnp.max(probs, axis=-1, keepdims=True)
    i1 = jnp.min(jnp.where(probs == m1, eidx, E), axis=-1, keepdims=True)
    oh1 = eidx == i1
    pmasked = jnp.where(oh1, -1.0, probs)
    m2 = jnp.max(pmasked, axis=-1, keepdims=True)
    i2 = jnp.min(jnp.where(pmasked == m2, eidx, E), axis=-1, keepdims=True)
    oh2 = eidx == i2
    denom = m1 + m2
    comb_vals = jnp.where(oh1, m1 / denom, jnp.where(oh2, m2 / denom, 0.0))
    disp_vals = jnp.where(oh1 | oh2, 1.0, 0.0)
    return probs, disp_vals, comb_vals


def _tc_body(x_ref, w1_ref, b1_ref, w2_ref, b2_ref,
             disp_ref, cvals_ref, probs_ref, aux_ref, acc_ref):
    i = pl.program_id(0)
    n = pl.num_programs(0)
    T = x_ref.shape[0]
    E = w2_ref.shape[1]
    CAP = disp_ref.shape[2]
    S_total = T * n

    probs, disp_vals, comb_vals = _router_block(
        x_ref[...], w1_ref[...], b1_ref[...], w2_ref[...], b2_ref[...])
    probs_ref[...] = probs
    cvals_ref[...] = comb_vals

    cap0 = jax.lax.broadcasted_iota(jnp.int32, (T, E, 128), 2) == 0
    disp_ref[:, :, 0:128] = jnp.where(cap0, disp_vals[:, :, None], 0.0)
    disp_ref[:, :, 128:CAP] = jnp.zeros((T, E, CAP - 128), dtype=jnp.float32)

    @pl.when(i == 0)
    def _():
        acc_ref[...] = jnp.zeros_like(acc_ref)

    acc_ref[...] += jnp.sum(probs, axis=0, keepdims=True)

    @pl.when(i == n - 1)
    def _():
        rppe = acc_ref[...] / S_total
        aux = jnp.sum(rppe * jnp.log(rppe * E + 1e-9))
        aux_ref[...] = jnp.full((1, 1), aux, dtype=jnp.float32)


_CSPLIT = 256


def _panel_body(cvals_ref, _comb_in_ref, comb_ref):
    T, E = cvals_ref.shape
    cap0 = jax.lax.broadcasted_iota(jnp.int32, (T, E, _CSPLIT), 2) == 0
    comb_ref[:, :, 0:_CSPLIT] = jnp.where(cap0, cvals_ref[...][:, :, None], 0.0)


_SC_CHUNK = 32


def _make_sc_zeros(S, E, CAP):
    info = plsc.get_sparse_core_info()
    NW = info.num_cores * info.num_subcores
    per_w = S // NW
    n_chunks = per_w // _SC_CHUNK
    mesh = plsc.VectorSubcoreMesh(core_axis_name="c", subcore_axis_name="s")

    def body(zeros_hbm, out_hbm, buf, sem):
        cid = lax.axis_index("c")
        sid = lax.axis_index("s")
        wid = sid * info.num_cores + cid
        tok0 = wid * per_w
        pltpu.sync_copy(zeros_hbm, buf)
        pending = []
        for c in range(n_chunks):
            cp = pltpu.make_async_copy(
                buf,
                out_hbm.at[pl.ds(tok0 + c * _SC_CHUNK, _SC_CHUNK), :,
                           pl.ds(_CSPLIT, CAP - _CSPLIT)],
                sem)
            cp.start()
            pending.append(cp)
        for cp in pending:
            cp.wait()

    return pl.kernel(
        body,
        out_type=jax.ShapeDtypeStruct((S, E, CAP), jnp.float32),
        mesh=mesh,
        scratch_types=[
            pltpu.VMEM((_SC_CHUNK, E, CAP - _CSPLIT), jnp.float32),
            pltpu.SemaphoreType.DMA,
        ],
        compiler_params=pltpu.CompilerParams(use_tc_tiling_on_sc=True),
    )


def kernel(hidden_states, W1, b1, W2, b2):
    B, S, H = hidden_states.shape
    E = W2.shape[1]
    capacity = int(B * S * _CAP_FACTOR * _TOP_K / E)
    T = 256
    grid = (B * S) // T

    x = hidden_states.reshape(B * S, H)
    b1r = b1.reshape(1, H)
    b2r = b2.reshape(1, E)

    sc_zeros = _make_sc_zeros(B * S, E, capacity)
    zeros_page = jnp.zeros((_SC_CHUNK, E, capacity - _CSPLIT), dtype=jnp.float32)
    comb_zeroed = sc_zeros(zeros_page)

    disp, cvals, probs, aux = pl.pallas_call(
        _tc_body,
        grid=(grid,),
        in_specs=[
            pl.BlockSpec((T, H), lambda i: (i, 0)),
            pl.BlockSpec((H, H), lambda i: (0, 0)),
            pl.BlockSpec((1, H), lambda i: (0, 0)),
            pl.BlockSpec((H, E), lambda i: (0, 0)),
            pl.BlockSpec((1, E), lambda i: (0, 0)),
        ],
        out_specs=[
            pl.BlockSpec((T, E, capacity), lambda i: (i, 0, 0)),
            pl.BlockSpec((T, E), lambda i: (i, 0)),
            pl.BlockSpec((T, E), lambda i: (i, 0)),
            pl.BlockSpec((1, 1), lambda i: (0, 0)),
        ],
        out_shape=[
            jax.ShapeDtypeStruct((B * S, E, capacity), jnp.float32),
            jax.ShapeDtypeStruct((B * S, E), jnp.float32),
            jax.ShapeDtypeStruct((B * S, E), jnp.float32),
            jax.ShapeDtypeStruct((1, 1), jnp.float32),
        ],
        scratch_shapes=[pltpu.VMEM((1, E), jnp.float32)],
        compiler_params=pltpu.CompilerParams(
            dimension_semantics=("arbitrary",),
        ),
    )(x, W1, b1r, W2, b2r)

    comb = pl.pallas_call(
        _panel_body,
        grid=(grid,),
        in_specs=[
            pl.BlockSpec((T, E), lambda i: (i, 0)),
            pl.BlockSpec(memory_space=pl.ANY),
        ],
        out_specs=pl.BlockSpec((T, E, _CSPLIT), lambda i: (i, 0, 0)),
        out_shape=jax.ShapeDtypeStruct((B * S, E, capacity), jnp.float32),
        input_output_aliases={1: 0},
        compiler_params=pltpu.CompilerParams(
            dimension_semantics=("arbitrary",),
        ),
    )(cvals, comb_zeroed)

    dispatch = disp.reshape(B, S, E, capacity)
    combine = comb.reshape(B, S, E, capacity)
    router_probs = probs.reshape(B, S, E)
    aux_loss = aux.reshape(())
    return (dispatch, combine, router_probs, aux_loss)

# --- scband reference (transcript-rebuilt; emitter-appended) ---
"""Pipeline reference for scband-flex-mo-erouter-3435973837291 (READ-ONLY COPY).

The authoritative reference and input builder live on the scoring server;
editing this copy changes nothing except your own understanding.
"""

import jax, jax.numpy as jnp
import numpy as np


def setup_inputs(seed: int = 0) -> dict:
    key = jax.random.key(seed)
    ks = jax.random.split(key, 4)
    H, E = 768, 16
    hidden_states = jax.random.normal(ks[0], (1, 2048, H), dtype=jnp.float32)
    W1 = jax.random.normal(ks[1], (H, H), dtype=jnp.float32) * (1.0 / np.sqrt(H))
    b1 = jnp.zeros((H,), dtype=jnp.float32)
    W2 = jax.random.normal(ks[2], (H, E), dtype=jnp.float32) * (1.0 / np.sqrt(H))
    b2 = jnp.zeros((E,), dtype=jnp.float32)
    return {"hidden_states": hidden_states, "W1": W1, "b1": b1, "W2": W2, "b2": b2}


def reference(hidden_states, W1, b1, W2, b2):
    # FlexMoERouter.forward with modality_info=None falls back to BaseRouter.forward
    B, S, H = hidden_states.shape
    E = W2.shape[1]
    top_k = 2
    capacity_factor = 1.5
    # router = Linear(H,H) -> ReLU -> Linear(H,E)
    h = jnp.maximum(hidden_states @ W1 + b1, 0.0)
    router_logits = h @ W2 + b2
    router_probs = jax.nn.softmax(router_logits, axis=-1)
    top_k_probs, top_k_indices = jax.lax.top_k(router_probs, top_k)
    top_k_probs = top_k_probs / jnp.sum(top_k_probs, axis=-1, keepdims=True)
    capacity = int(B * S * capacity_factor * top_k / E)
    dispatch_tensor = jnp.zeros((B, S, E, capacity), dtype=jnp.float32)
    combine_tensor = jnp.zeros((B, S, E, capacity), dtype=jnp.float32)
    # vectorized version of the torch triple loop: writes at capacity slot 0
    ii = jnp.broadcast_to(jnp.arange(B)[:, None, None], (B, S, top_k))
    jj = jnp.broadcast_to(jnp.arange(S)[None, :, None], (B, S, top_k))
    dispatch_tensor = dispatch_tensor.at[ii, jj, top_k_indices, 0].set(1.0)
    combine_tensor = combine_tensor.at[ii, jj, top_k_indices, 0].set(top_k_probs)
    router_prob_per_expert = jnp.mean(router_probs, axis=(0, 1))
    aux_loss = jnp.sum(router_prob_per_expert * jnp.log(router_prob_per_expert * E + 1e-9))
    return (dispatch_tensor, combine_tensor, router_probs, aux_loss)

if __name__ == "__main__":
    import jax
    _d = setup_inputs()
    print(jax.jit(kernel)(*tuple(_d.values())))

</pallas_src>

<mosaic_0001>
#map = affine_map<(d0, d1) -> (0, 0, 0)>
module attributes {stable_mosaic.version = 14 : i64} {
  func.func @body(%arg0: i32, %arg1: i32, %arg2: memref<32x16x128xf32, #tpu.memory_space<hbm>>, %arg3: memref<2048x16x384xf32, #tpu.memory_space<hbm>>, %arg4: memref<32x16x128xf32, #tpu.memory_space<vmem>>, %arg5: memref<!tpu.dma_semaphore, #tpu.memory_space<semaphore_mem>>) attributes {dimension_semantics = [#tpu.dimension_semantics<core_parallel>, #tpu.dimension_semantics<subcore_parallel>], iteration_bounds = array<i64: 2, 16>, scalar_prefetch = 0 : i64, scratch_operands = 2 : i64, tpu.core_type = #tpu.core_type<sc_vector_subcore>, window_params = [{transform_indices = #map}, {transform_indices = #map}]} {
    %mul3A = arith.constant 2 : i32
    %mul3A_0 = arith.muli %arg1, %mul3A : i32
    %add3A = arith.addi %mul3A_0, %arg0 : i32
    %mul3A_1 = arith.constant 64 : i32
    %mul3A_2 = arith.muli %add3A, %mul3A_1 : i32
    "tpu.region"() ({
      %run_scoped3A = tpu.sem_alloc : memref<!tpu.dma_semaphore, #tpu.memory_space<semaphore_mem>>
      tpu.enqueue_dma source(%arg2 : memref<32x16x128xf32, #tpu.memory_space<hbm>>) target(%arg4 : memref<32x16x128xf32, #tpu.memory_space<vmem>>) target_semaphore(%run_scoped3A : memref<!tpu.dma_semaphore, #tpu.memory_space<semaphore_mem>>)
      tpu.wait_dma2 semaphore(%run_scoped3A : memref<!tpu.dma_semaphore, #tpu.memory_space<semaphore_mem>>) src(%arg2 : memref<32x16x128xf32, #tpu.memory_space<hbm>>) dst(%arg4 : memref<32x16x128xf32, #tpu.memory_space<vmem>>)
      tpu.yield
    }) : () -> ()
    %add3A_3 = arith.constant 0 : i32
    %add3A_4 = arith.addi %mul3A_2, %add3A_3 : i32
    %dma_start3A = arith.constant 0 : i32
    %dma_start3A_5 = arith.constant 256 : i32
    %dma_start3A_6 = tpu.memref_slice %arg3[%add3A_4, %dma_start3A, %dma_start3A_5] : memref<2048x16x384xf32, #tpu.memory_space<hbm>> -> memref<32x16x128xf32, #tpu.memory_space<hbm>>
    %dma_start3A_7 = arith.constant 0 : i32
    %dma_start3A_8 = arith.constant 256 : i32
    %dma_start3A_9 = tpu.memref_slice %arg3[%add3A_4, %dma_start3A_7, %dma_start3A_8] : memref<2048x16x384xf32, #tpu.memory_space<hbm>> -> memref<32x16x128xf32, #tpu.memory_space<hbm>>
    tpu.enqueue_dma source(%arg4 : memref<32x16x128xf32, #tpu.memory_space<vmem>>) target(%dma_start3A_9 : memref<32x16x128xf32, #tpu.memory_space<hbm>>) target_semaphore(%arg5 : memref<!tpu.dma_semaphore, #tpu.memory_space<semaphore_mem>>)
    %add3A_10 = arith.constant 32 : i32
    %add3A_11 = arith.addi %mul3A_2, %add3A_10 : i32
    %dma_start3A_12 = arith.constant 0 : i32
    %dma_start3A_13 = arith.constant 256 : i32
    %dma_start3A_14 = tpu.memref_slice %arg3[%add3A_11, %dma_start3A_12, %dma_start3A_13] : memref<2048x16x384xf32, #tpu.memory_space<hbm>> -> memref<32x16x128xf32, #tpu.memory_space<hbm>>
    %dma_start3A_15 = arith.constant 0 : i32
    %dma_start3A_16 = arith.constant 256 : i32
    %dma_start3A_17 = tpu.memref_slice %arg3[%add3A_11, %dma_start3A_15, %dma_start3A_16] : memref<2048x16x384xf32, #tpu.memory_space<hbm>> -> memref<32x16x128xf32, #tpu.memory_space<hbm>>
    tpu.enqueue_dma source(%arg4 : memref<32x16x128xf32, #tpu.memory_space<vmem>>) target(%dma_start3A_17 : memref<32x16x128xf32, #tpu.memory_space<hbm>>) target_semaphore(%arg5 : memref<!tpu.dma_semaphore, #tpu.memory_space<semaphore_mem>>)
    %dma_wait3A = arith.constant 0 : i32
    %dma_wait3A_18 = arith.constant 256 : i32
    %dma_wait3A_19 = tpu.memref_slice %arg3[%add3A_4, %dma_wait3A, %dma_wait3A_18] : memref<2048x16x384xf32, #tpu.memory_space<hbm>> -> memref<32x16x128xf32, #tpu.memory_space<hbm>>
    %dma_wait3A_20 = arith.constant 0 : i32
    %dma_wait3A_21 = arith.constant 256 : i32
    %dma_wait3A_22 = tpu.memref_slice %arg3[%add3A_4, %dma_wait3A_20, %dma_wait3A_21] : memref<2048x16x384xf32, #tpu.memory_space<hbm>> -> memref<32x16x128xf32, #tpu.memory_space<hbm>>
    tpu.wait_dma2 semaphore(%arg5 : memref<!tpu.dma_semaphore, #tpu.memory_space<semaphore_mem>>) src(%arg4 : memref<32x16x128xf32, #tpu.memory_space<vmem>>) dst(%dma_wait3A_22 : memref<32x16x128xf32, #tpu.memory_space<hbm>>)
    %dma_wait3A_23 = arith.constant 0 : i32
    %dma_wait3A_24 = arith.constant 256 : i32
    %dma_wait3A_25 = tpu.memref_slice %arg3[%add3A_11, %dma_wait3A_23, %dma_wait3A_24] : memref<2048x16x384xf32, #tpu.memory_space<hbm>> -> memref<32x16x128xf32, #tpu.memory_space<hbm>>
    %dma_wait3A_26 = arith.constant 0 : i32
    %dma_wait3A_27 = arith.constant 256 : i32
    %dma_wait3A_28 = tpu.memref_slice %arg3[%add3A_11, %dma_wait3A_26, %dma_wait3A_27] : memref<2048x16x384xf32, #tpu.memory_space<hbm>> -> memref<32x16x128xf32, #tpu.memory_space<hbm>>
    tpu.wait_dma2 semaphore(%arg5 : memref<!tpu.dma_semaphore, #tpu.memory_space<semaphore_mem>>) src(%arg4 : memref<32x16x128xf32, #tpu.memory_space<vmem>>) dst(%dma_wait3A_28 : memref<32x16x128xf32, #tpu.memory_space<hbm>>)
    return
  }
}

module attributes {stable_mosaic.version = 14 : i64} {
  func.func @_panel_body(%arg0: i32, %arg1: memref<256x16xf32, #tpu.memory_space<vmem>>, %arg2: memref<2048x16x384xf32, #tpu.memory_space<any>>, %arg3: memref<256x16x256xf32, #tpu.memory_space<vmem>>) attributes {dimension_semantics = [#tpu.dimension_semantics<arbitrary>], iteration_bounds = array<i64: 8>, scalar_prefetch = 0 : i64, scratch_operands = 0 : i64, tpu.core_type = #tpu.core_type<tc>, window_params = [{transform_indices = @transform_0, window_bounds = array<i64: 256, 16>}, {}, {transform_indices = @transform_2, window_bounds = array<i64: 256, 16, 256>}]} {
    %iota3A = tpu.iota {dimensions = array<i32: 2>} : vector<256x16x256xi32>
    %eq3A = arith.constant 0 : i32
    %eq3A_0 = vector.broadcast %eq3A : i32 to vector<256x16x256xi32>
    %eq3A_1 = arith.cmpi eq, %iota3A, %eq3A_0 : vector<256x16x256xi32>
    %get3A = arith.constant 0 : index
    %get3A_2 = arith.constant 0 : index
    %get3A_3 = vector.load %arg1[%get3A, %get3A_2] : memref<256x16xf32, #tpu.memory_space<vmem>>, vector<256x16xf32>
    %broadcast_in_dim3A = vector.shape_cast %get3A_3 : vector<256x16xf32> to vector<256x16x1xf32>
    %jit3A = arith.constant 0.000000e+00 : f32
    %broadcast_in_dim3A_4 = vector.shape_cast %broadcast_in_dim3A : vector<256x16x1xf32> to vector<256x16x1xf32>
    %broadcast_in_dim3A_5 = vector.broadcast %broadcast_in_dim3A_4 : vector<256x16x1xf32> to vector<256x16x256xf32>
    %broadcast_in_dim3A_6 = vector.broadcast %jit3A : f32 to vector<256x16x256xf32>
    %select_n3A = arith.select %eq3A_1, %broadcast_in_dim3A_5, %broadcast_in_dim3A_6 : vector<256x16x256xi1>, vector<256x16x256xf32>
    %swap3A = arith.constant 0 : index
    %swap3A_7 = arith.constant 0 : index
    %swap3A_8 = arith.constant 0 : index
    %swap3A_9 = vector.load %arg3[%swap3A, %swap3A_7, %swap3A_8] : memref<256x16x256xf32, #tpu.memory_space<vmem>>, vector<256x16x256xf32>
    tpu.vector_store %arg3[%swap3A, %swap3A_7, %swap3A_8], %select_n3A {strides = array<i32>} : memref<256x16x256xf32, #tpu.memory_space<vmem>>, vector<256x16x256xf32>,
    return
  }
  func.func @transform_0(%arg0: i32) -> (i32, i32) {
    %c0_i32 = arith.constant 0 : i32
    %c0_i32_0 = arith.constant 0 : i32
    return %arg0, %c0_i32 : i32, i32
  }
  func.func @transform_2(%arg0: i32) -> (i32, i32, i32) {
    %c0_i32 = arith.constant 0 : i32
    %c0_i32_0 = arith.constant 0 : i32
    %c0_i32_1 = arith.constant 0 : i32
    return %arg0, %c0_i32, %c0_i32_0 : i32, i32, i32
  }
}

module attributes {stable_mosaic.version = 14 : i64} {
  func.func @_tc_body(%arg0: i32, %arg1: memref<256x768xf32, #tpu.memory_space<vmem>>, %arg2: memref<768x768xf32, #tpu.memory_space<vmem>>, %arg3: memref<1x768xf32, #tpu.memory_space<vmem>>, %arg4: memref<768x16xf32, #tpu.memory_space<vmem>>, %arg5: memref<1x16xf32, #tpu.memory_space<vmem>>, %arg6: memref<256x16x384xf32, #tpu.memory_space<vmem>>, %arg7: memref<256x16xf32, #tpu.memory_space<vmem>>, %arg8: memref<256x16xf32, #tpu.memory_space<vmem>>, %arg9: memref<1x1xf32, #tpu.memory_space<vmem>>, %arg10: memref<1x16xf32, #tpu.memory_space<vmem>>) attributes {dimension_semantics = [#tpu.dimension_semantics<arbitrary>], iteration_bounds = array<i64: 8>, scalar_prefetch = 0 : i64, scratch_operands = 1 : i64, tpu.core_type = #tpu.core_type<tc>, window_params = [{transform_indices = @transform_0, window_bounds = array<i64: 256, 768>}, {pipeline_mode = #tpu.pipeline_mode<synchronous>, transform_indices = @transform_1, window_bounds = array<i64: 768, 768>}, {pipeline_mode = #tpu.pipeline_mode<synchronous>, transform_indices = @transform_2, window_bounds = array<i64: 1, 768>}, {pipeline_mode = #tpu.pipeline_mode<synchronous>, transform_indices = @transform_3, window_bounds = array<i64: 768, 16>}, {pipeline_mode = #tpu.pipeline_mode<synchronous>, transform_indices = @transform_4, window_bounds = array<i64: 1, 16>}, {transform_indices = @transform_5, window_bounds = array<i64: 256, 16, 384>}, {transform_indices = @transform_6, window_bounds = array<i64: 256, 16>}, {transform_indices = @transform_7, window_bounds = array<i64: 256, 16>}, {pipeline_mode = #tpu.pipeline_mode<synchronous>, transform_indices = @transform_8, window_bounds = array<i64: 1, 1>}]} {
    %get3A = arith.constant 0 : index
    %get3A_0 = arith.constant 0 : index
    %get3A_1 = vector.load %arg1[%get3A, %get3A_0] : memref<256x768xf32, #tpu.memory_space<vmem>>, vector<256x768xf32>
    %get3A_2 = arith.constant 0 : index
    %get3A_3 = arith.constant 0 : index
    %get3A_4 = vector.load %arg2[%get3A_2, %get3A_3] : memref<768x768xf32, #tpu.memory_space<vmem>>, vector<768x768xf32>
    %get3A_5 = arith.constant 0 : index
    %get3A_6 = arith.constant 0 : index
    %get3A_7 = vector.load %arg3[%get3A_5, %get3A_6] : memref<1x768xf32, #tpu.memory_space<vmem>>, vector<1x768xf32>
    %get3A_8 = arith.constant 0 : index
    %get3A_9 = arith.constant 0 : index
    %get3A_10 = vector.load %arg4[%get3A_8, %get3A_9] : memref<768x16xf32, #tpu.memory_space<vmem>>, vector<768x16xf32>
    %get3A_11 = arith.constant 0 : index
    %get3A_12 = arith.constant 0 : index
    %get3A_13 = vector.load %arg5[%get3A_11, %get3A_12] : memref<1x16xf32, #tpu.memory_space<vmem>>, vector<1x16xf32>
    %dot_general3A = arith.constant dense<0.000000e+00> : vector<256x768xf32>
    %dot_general3A_14 = tpu.matmul %get3A_1, %get3A_4, %dot_general3A {dimension_numbers = #tpu.dot_dimension_numbers<[1], [0], [0], [1], [0, 0, 1, 1], [], []>, transpose_lhs_hint = false} : vector<256x768xf32>, vector<768x768xf32>, vector<256x768xf32> -> vector<256x768xf32>
    %add3A = vector.broadcast %get3A_7 : vector<1x768xf32> to vector<256x768xf32>
    %add3A_15 = arith.addf %dot_general3A_14, %add3A : vector<256x768xf32>
    %max3A = arith.constant 0.000000e+00 : f32
    %max3A_16 = vector.broadcast %max3A : f32 to vector<256x768xf32>
    %max3A_17 = arith.maximumf %add3A_15, %max3A_16 : vector<256x768xf32>
    %dot_general3A_18 = arith.constant dense<0.000000e+00> : vector<256x16xf32>
    %dot_general3A_19 = tpu.matmul %max3A_17, %get3A_10, %dot_general3A_18 {dimension_numbers = #tpu.dot_dimension_numbers<[1], [0], [0], [1], [0, 0, 1, 1], [], []>, transpose_lhs_hint = false} : vector<256x768xf32>, vector<768x16xf32>, vector<256x16xf32> -> vector<256x16xf32>
    %add3A_20 = vector.broadcast %get3A_13 : vector<1x16xf32> to vector<256x16xf32>
    %add3A_21 = arith.addf %dot_general3A_19, %add3A_20 : vector<256x16xf32>
    %reduce_max3A = arith.constant dense<0xFF800000> : vector<256xf32>
    %reduce_max3A_22 = vector.multi_reduction <maximumf>, %add3A_21, %reduce_max3A [1] : vector<256x16xf32> to vector<256xf32>
    %broadcast_in_dim3A = vector.shape_cast %reduce_max3A_22 : vector<256xf32> to vector<256x1xf32>
    %sub3A = vector.broadcast %broadcast_in_dim3A : vector<256x1xf32> to vector<256x16xf32>
    %sub3A_23 = arith.subf %add3A_21, %sub3A : vector<256x16xf32>
    %exp3A = math.exp %sub3A_23 : vector<256x16xf32>
    %reduce_sum3A = arith.constant dense<0.000000e+00> : vector<256xf32>
    %reduce_sum3A_24 = vector.multi_reduction <add>, %exp3A, %reduce_sum3A [1] : vector<256x16xf32> to vector<256xf32>
    %broadcast_in_dim3A_25 = vector.shape_cast %reduce_sum3A_24 : vector<256xf32> to vector<256x1xf32>
    %div3A = vector.broadcast %broadcast_in_dim3A_25 : vector<256x1xf32> to vector<256x16xf32>
    %div3A_26 = arith.divf %exp3A, %div3A : vector<256x16xf32>
    %iota3A = tpu.iota {dimensions = array<i32: 1>} : vector<256x16xi32>
    %reduce_max3A_27 = arith.constant dense<0xFF800000> : vector<256xf32>
    %reduce_max3A_28 = vector.multi_reduction <maximumf>, %div3A_26, %reduce_max3A_27 [1] : vector<256x16xf32> to vector<256xf32>
    %broadcast_in_dim3A_29 = vector.shape_cast %reduce_max3A_28 : vector<256xf32> to vector<256x1xf32>
    %eq3A = vector.broadcast %broadcast_in_dim3A_29 : vector<256x1xf32> to vector<256x16xf32>
    %eq3A_30 = arith.cmpf oeq, %div3A_26, %eq3A : vector<256x16xf32>
    %jit3A = arith.constant 16 : i32
    %broadcast_in_dim3A_31 = vector.broadcast %jit3A : i32 to vector<256x16xi32>
    %select_n3A = arith.select %eq3A_30, %iota3A, %broadcast_in_dim3A_31 : vector<256x16xi1>, vector<256x16xi32>
    %reduce_min3A = arith.constant dense<2147483647> : vector<256xi32>
    %reduce_min3A_32 = vector.multi_reduction <minsi>, %select_n3A, %reduce_min3A [1] : vector<256x16xi32> to vector<256xi32>
    %broadcast_in_dim3A_33 = vector.shape_cast %reduce_min3A_32 : vector<256xi32> to vector<256x1xi32>
    %eq3A_34 = vector.broadcast %broadcast_in_dim3A_33 : vector<256x1xi32> to vector<256x16xi32>
    %eq3A_35 = arith.cmpi eq, %iota3A, %eq3A_34 : vector<256x16xi32>
    %jit3A_36 = arith.constant -1.000000e+00 : f32
    %broadcast_in_dim3A_37 = vector.broadcast %jit3A_36 : f32 to vector<256x16xf32>
    %select_n3A_38 = arith.select %eq3A_35, %broadcast_in_dim3A_37, %div3A_26 : vector<256x16xi1>, vector<256x16xf32>
    %reduce_max3A_39 = arith.constant dense<0xFF800000> : vector<256xf32>
    %reduce_max3A_40 = vector.multi_reduction <maximumf>, %select_n3A_38, %reduce_max3A_39 [1] : vector<256x16xf32> to vector<256xf32>
    %broadcast_in_dim3A_41 = vector.shape_cast %reduce_max3A_40 : vector<256xf32> to vector<256x1xf32>
    %eq3A_42 = vector.broadcast %broadcast_in_dim3A_41 : vector<256x1xf32> to vector<256x16xf32>
    %eq3A_43 = arith.cmpf oeq, %select_n3A_38, %eq3A_42 : vector<256x16xf32>
    %jit3A_44 = arith.constant 16 : i32
    %broadcast_in_dim3A_45 = vector.broadcast %jit3A_44 : i32 to vector<256x16xi32>
    %select_n3A_46 = arith.select %eq3A_43, %iota3A, %broadcast_in_dim3A_45 : vector<256x16xi1>, vector<256x16xi32>
    %reduce_min3A_47 = arith.constant dense<2147483647> : vector<256xi32>
    %reduce_min3A_48 = vector.multi_reduction <minsi>, %select_n3A_46, %reduce_min3A_47 [1] : vector<256x16xi32> to vector<256xi32>
    %broadcast_in_dim3A_49 = vector.shape_cast %reduce_min3A_48 : vector<256xi32> to vector<256x1xi32>
    %eq3A_50 = vector.broadcast %broadcast_in_dim3A_49 : vector<256x1xi32> to vector<256x16xi32>
    %eq3A_51 = arith.cmpi eq, %iota3A, %eq3A_50 : vector<256x16xi32>
    %add3A_52 = arith.addf %broadcast_in_dim3A_29, %broadcast_in_dim3A_41 : vector<256x1xf32>
    %div3A_53 = arith.divf %broadcast_in_dim3A_29, %add3A_52 : vector<256x1xf32>
    %div3A_54 = arith.divf %broadcast_in_dim3A_41, %add3A_52 : vector<256x1xf32>
    %jit3A_55 = arith.constant 0.000000e+00 : f32
    %broadcast_in_dim3A_56 = vector.shape_cast %div3A_54 : vector<256x1xf32> to vector<256x1xf32>
    %broadcast_in_dim3A_57 = vector.broadcast %broadcast_in_dim3A_56 : vector<256x1xf32> to vector<256x16xf32>
    %broadcast_in_dim3A_58 = vector.broadcast %jit3A_55 : f32 to vector<256x16xf32>
    %select_n3A_59 = arith.select %eq3A_51, %broadcast_in_dim3A_57, %broadcast_in_dim3A_58 : vector<256x16xi1>, vector<256x16xf32>
    %broadcast_in_dim3A_60 = vector.shape_cast %div3A_53 : vector<256x1xf32> to vector<256x1xf32>
    %broadcast_in_dim3A_61 = vector.broadcast %broadcast_in_dim3A_60 : vector<256x1xf32> to vector<256x16xf32>
    %select_n3A_62 = arith.select %eq3A_35, %broadcast_in_dim3A_61, %select_n3A_59 : vector<256x16xi1>, vector<256x16xf32>
    %or3A = arith.ori %eq3A_35, %eq3A_51 : vector<256x16xi1>
    %jit3A_63 = arith.constant 1.000000e+00 : f32
    %jit3A_64 = arith.constant 0.000000e+00 : f32
    %broadcast_in_dim3A_65 = vector.broadcast %jit3A_63 : f32 to vector<256x16xf32>
    %broadcast_in_dim3A_66 = vector.broadcast %jit3A_64 : f32 to vector<256x16xf32>
    %select_n3A_67 = arith.select %or3A, %broadcast_in_dim3A_65, %broadcast_in_dim3A_66 : vector<256x16xi1>, vector<256x16xf32>
    %swap3A = arith.constant 0 : index
    %swap3A_68 = arith.constant 0 : index
    %swap3A_69 = vector.load %arg8[%swap3A, %swap3A_68] : memref<256x16xf32, #tpu.memory_space<vmem>>, vector<256x16xf32>
    tpu.vector_store %arg8[%swap3A, %swap3A_68], %div3A_26 {strides = array<i32>} : memref<256x16xf32, #tpu.memory_space<vmem>>, vector<256x16xf32>,
    %swap3A_70 = arith.constant 0 : index
    %swap3A_71 = arith.constant 0 : index
    %swap3A_72 = vector.load %arg7[%swap3A_70, %swap3A_71] : memref<256x16xf32, #tpu.memory_space<vmem>>, vector<256x16xf32>
    tpu.vector_store %arg7[%swap3A_70, %swap3A_71], %select_n3A_62 {strides = array<i32>} : memref<256x16xf32, #tpu.memory_space<vmem>>, vector<256x16xf32>,
    %iota3A_73 = tpu.iota {dimensions = array<i32: 2>} : vector<256x16x128xi32>
    %eq3A_74 = arith.constant 0 : i32
    %eq3A_75 = vector.broadcast %eq3A_74 : i32 to vector<256x16x128xi32>
    %eq3A_76 = arith.cmpi eq, %iota3A_73, %eq3A_75 : vector<256x16x128xi32>
    %broadcast_in_dim3A_77 = vector.shape_cast %select_n3A_67 : vector<256x16xf32> to vector<256x16x1xf32>
    %jit3A_78 = arith.constant 0.000000e+00 : f32
    %broadcast_in_dim3A_79 = vector.shape_cast %broadcast_in_dim3A_77 : vector<256x16x1xf32> to vector<256x16x1xf32>
    %broadcast_in_dim3A_80 = vector.broadcast %broadcast_in_dim3A_79 : vector<256x16x1xf32> to vector<256x16x128xf32>
    %broadcast_in_dim3A_81 = vector.broadcast %jit3A_78 : f32 to vector<256x16x128xf32>
    %select_n3A_82 = arith.select %eq3A_76, %broadcast_in_dim3A_80, %broadcast_in_dim3A_81 : vector<256x16x128xi1>, vector<256x16x128xf32>
    %swap3A_83 = arith.constant 0 : index
    %swap3A_84 = arith.constant 0 : index
    %swap3A_85 = arith.constant 0 : index
    %swap3A_86 = vector.load %arg6[%swap3A_83, %swap3A_84, %swap3A_85] : memref<256x16x384xf32, #tpu.memory_space<vmem>>, vector<256x16x128xf32>
    tpu.vector_store %arg6[%swap3A_83, %swap3A_84, %swap3A_85], %select_n3A_82 {strides = array<i32>} : memref<256x16x384xf32, #tpu.memory_space<vmem>>, vector<256x16x128xf32>,
    %broadcast_in_dim3A_87 = arith.constant 0.000000e+00 : f32
    %broadcast_in_dim3A_88 = vector.broadcast %broadcast_in_dim3A_87 : f32 to vector<256x16x256xf32>
    %swap3A_89 = arith.constant 0 : index
    %swap3A_90 = arith.constant 0 : index
    %swap3A_91 = arith.constant 128 : index
    %swap3A_92 = vector.load %arg6[%swap3A_89, %swap3A_90, %swap3A_91] : memref<256x16x384xf32, #tpu.memory_space<vmem>>, vector<256x16x256xf32>
    tpu.vector_store %arg6[%swap3A_89, %swap3A_90, %swap3A_91], %broadcast_in_dim3A_88 {strides = array<i32>} : memref<256x16x384xf32, #tpu.memory_space<vmem>>, vector<256x16x256xf32>,
    %eq3A_93 = arith.constant 0 : i32
    %eq3A_94 = arith.cmpi eq, %arg0, %eq3A_93 : i32
    %convert_element_type3A = arith.extui %eq3A_94 : i1 to i32
    %cond3A = arith.constant 0 : i32
    %cond3A_95 = arith.cmpi ne, %convert_element_type3A, %cond3A : i32
    scf.if %cond3A_95 {
      %broadcast_in_dim3A_111 = arith.constant 0.000000e+00 : f32
      %broadcast_in_dim3A_112 = vector.broadcast %broadcast_in_dim3A_111 : f32 to vector<1x16xf32>
      %swap3A_113 = arith.constant 0 : index
      %swap3A_114 = arith.constant 0 : index
      %swap3A_115 = vector.load %arg10[%swap3A_113, %swap3A_114] : memref<1x16xf32, #tpu.memory_space<vmem>>, vector<1x16xf32>
      tpu.vector_store %arg10[%swap3A_113, %swap3A_114], %broadcast_in_dim3A_112 {strides = array<i32>} : memref<1x16xf32, #tpu.memory_space<vmem>>, vector<1x16xf32>,
    } else {
    }
    %get3A_96 = arith.constant 0 : index
    %get3A_97 = arith.constant 0 : index
    %get3A_98 = vector.load %arg10[%get3A_96, %get3A_97] : memref<1x16xf32, #tpu.memory_space<vmem>>, vector<1x16xf32>
    %reduce_sum3A_99 = arith.constant dense<0.000000e+00> : vector<16xf32>
    %reduce_sum3A_100 = vector.multi_reduction <add>, %div3A_26, %reduce_sum3A_99 [0] : vector<256x16xf32> to vector<16xf32>
    %broadcast_in_dim3A_101 = vector.shape_cast %reduce_sum3A_100 : vector<16xf32> to vector<1x16xf32>
    %add3A_102 = arith.addf %get3A_98, %broadcast_in_dim3A_101 : vector<1x16xf32>
    %swap3A_103 = arith.constant 0 : index
    %swap3A_104 = arith.constant 0 : index
    %swap3A_105 = vector.load %arg10[%swap3A_103, %swap3A_104] : memref<1x16xf32, #tpu.memory_space<vmem>>, vector<1x16xf32>
    tpu.vector_store %arg10[%swap3A_103, %swap3A_104], %add3A_102 {strides = array<i32>} : memref<1x16xf32, #tpu.memory_space<vmem>>, vector<1x16xf32>,
    %eq3A_106 = arith.constant 7 : i32
    %eq3A_107 = arith.cmpi eq, %arg0, %eq3A_106 : i32
    %convert_element_type3A_108 = arith.extui %eq3A_107 : i1 to i32
    %cond3A_109 = arith.constant 0 : i32
    %cond3A_110 = arith.cmpi ne, %convert_element_type3A_108, %cond3A_109 : i32
    scf.if %cond3A_110 {
      %get3A_111 = arith.constant 0 : index
      %get3A_112 = arith.constant 0 : index
      %get3A_113 = vector.load %arg10[%get3A_111, %get3A_112] : memref<1x16xf32, #tpu.memory_space<vmem>>, vector<1x16xf32>
      %div3A_114 = arith.constant 2.048000e+03 : f32
      %div3A_115 = vector.broadcast %div3A_114 : f32 to vector<1x16xf32>
      %div3A_116 = arith.divf %get3A_113, %div3A_115 : vector<1x16xf32>
      %mul3A = arith.constant 1.600000e+01 : f32
      %mul3A_117 = vector.broadcast %mul3A : f32 to vector<1x16xf32>
      %mul3A_118 = arith.mulf %div3A_116, %mul3A_117 : vector<1x16xf32>
      %add3A_119 = arith.constant 9.99999971E-10 : f32
      %add3A_120 = vector.broadcast %add3A_119 : f32 to vector<1x16xf32>
      %add3A_121 = arith.addf %mul3A_118, %add3A_120 : vector<1x16xf32>
      %log3A = math.log %add3A_121 : vector<1x16xf32>
      %mul3A_122 = arith.mulf %div3A_116, %log3A : vector<1x16xf32>
      %reduce_sum3A_123 = vector.shape_cast %mul3A_122 : vector<1x16xf32> to vector<1x1x16xf32>
      %reduce_sum3A_124 = arith.constant dense<0.000000e+00> : vector<1xf32>
      %reduce_sum3A_125 = vector.multi_reduction <add>, %reduce_sum3A_123, %reduce_sum3A_124 [1, 2] : vector<1x1x16xf32> to vector<1xf32>
      %reduce_sum3A_126 = vector.shape_cast %reduce_sum3A_125 : vector<1xf32> to vector<1x1x1xf32>
      %reduce_sum3A_127 = vector.extract %reduce_sum3A_126[0, 0, 0] : f32 from vector<1x1x1xf32>
      %broadcast_in_dim3A_128 = vector.broadcast %reduce_sum3A_127 : f32 to vector<1x1xf32>
      %swap3A_129 = arith.constant 0 : index
      %swap3A_130 = arith.constant 0 : index
      %swap3A_131 = vector.load %arg9[%swap3A_129, %swap3A_130] : memref<1x1xf32, #tpu.memory_space<vmem>>, vector<1x1xf32>
      tpu.vector_store %arg9[%swap3A_129, %swap3A_130], %broadcast_in_dim3A_128 {strides = array<i32>} : memref<1x1xf32, #tpu.memory_space<vmem>>, vector<1x1xf32>,
    } else {
    }
    return
  }
  func.func @transform_0(%arg0: i32) -> (i32, i32) {
    %c0_i32 = arith.constant 0 : i32
    %c0_i32_0 = arith.constant 0 : i32
    return %arg0, %c0_i32 : i32, i32
  }
  func.func @transform_1(%arg0: i32) -> (i32, i32) {
    %c0_i32 = arith.constant 0 : i32
    %c0_i32_0 = arith.constant 0 : i32
    %c0_i32_1 = arith.constant 0 : i32
    return %c0_i32, %c0_i32_0 : i32, i32
  }
  func.func @transform_2(%arg0: i32) -> (i32, i32) {
    %c0_i32 = arith.constant 0 : i32
    %c0_i32_0 = arith.constant 0 : i32
    %c0_i32_1 = arith.constant 0 : i32
    return %c0_i32, %c0_i32_0 : i32, i32
  }
  func.func @transform_3(%arg0: i32) -> (i32, i32) {
    %c0_i32 = arith.constant 0 : i32
    %c0_i32_0 = arith.constant 0 : i32
    %c0_i32_1 = arith.constant 0 : i32
    return %c0_i32, %c0_i32_0 : i32, i32
  }
  func.func @transform_4(%arg0: i32) -> (i32, i32) {
    %c0_i32 = arith.constant 0 : i32
    %c0_i32_0 = arith.constant 0 : i32
    %c0_i32_1 = arith.constant 0 : i32
    return %c0_i32, %c0_i32_0 : i32, i32
  }
  func.func @transform_5(%arg0: i32) -> (i32, i32, i32) {
    %c0_i32 = arith.constant 0 : i32
    %c0_i32_0 = arith.constant 0 : i32
    %c0_i32_1 = arith.constant 0 : i32
    return %arg0, %c0_i32, %c0_i32_0 : i32, i32, i32
  }
  func.func @transform_6(%arg0: i32) -> (i32, i32) {
    %c0_i32 = arith.constant 0 : i32
    %c0_i32_0 = arith.constant 0 : i32
    return %arg0, %c0_i32 : i32, i32
  }
  func.func @transform_7(%arg0: i32) -> (i32, i32) {
    %c0_i32 = arith.constant 0 : i32
    %c0_i32_0 = arith.constant 0 : i32
    return %arg0, %c0_i32 : i32, i32
  }
  func.func @transform_8(%arg0: i32) -> (i32, i32) {
    %c0_i32 = arith.constant 0 : i32
    %c0_i32_0 = arith.constant 0 : i32
    %c0_i32_1 = arith.constant 0 : i32
    return %c0_i32, %c0_i32_0 : i32, i32
  }
}

</mosaic_0001>

<sc_bundles>
// kernel: kernel.5.cloned.1.call-start
scs
__scs_entry_jumppad:
0x0: {  	(pc) =	sbr.rel $0x88, $3  }
0x1: {  	(tag) =	ssettag $0x0;
	lr =	simm.s32 $0x1  }
0x2: {  	[smem:$0x3F9C] =	sst lr;
	_ =	strace $0xD0000000  }
0x3: {  	_ = 	snop  }
0x4: {  	_ = 	snop  }
0x5: {  	_ = 	snop  }
0x6: {  	_ = 	snop  }
0x7: {  	_ = 	snop  }
__scs_overlays_trampoline_lowered:
0x8: {  	[smem:$0x3FAB] =	sst s0  }
0x9: {  	[smem:$0x3FAC] =	sst s1  }
0xa: {  	[smem:$0x3FAD] =	sst s2  }
0xb: {  	[smem:$0x3FAE] =	sst s3  }
0xc: {  	[smem:$0x3FAF] =	sst s4  }
0xd: {  	[smem:$0x3FB0] =	sst s5  }
0xe: {  	[smem:$0x3FB1] =	sst s6  }
0xf: {  	[smem:$0x3FB2] =	sst s7  }
0x10: {  	[smem:$0x3FB3] =	sst s8  }
0x11: {  	[smem:$0x3FB4] =	sst s9;
	s0 =	simm.s32 @!p0 $0x0  }
0x12: {  	s1 =	sld [smem:$0x3F9A];
	s0 =	simm.s32 @p0 $0x1  }
0x13: {  	[smem:$0x3FB5] =	sst s0;
	s0 =	simm.s32 @!p1 $0x0  }
0x14: {  	s2 =	sld [smem:$0x3F99];
	s0 =	simm.s32 @p1 $0x1  }
0x15: {  	[smem:$0x3FB6] =	sst s0;
	s0 =	simm.s32 @!p2 $0x0  }
0x16: {  	s3 =	sld [smem:$0x3FDB];
	s0 =	simm.s32 @p2 $0x1  }
0x17: {  	s4 =	simm.s32 $0x1BF5;
	[smem:$0x3FB8] =	sst s0  }
0x18: {  	s0 =	sld [smem:$0x3F9B];
	_ =	swait.ge [sflag:s4], $0x0  }
0x19: {  	s7 =	sld [smem:$0x3F9C]  }
0x1a: {  	s8 =	sadd.s32 $0xFFFFE003, lr  }
0x1b: {  	s9 =	sadd.s32 $0xFFFFFEF7, lr;
	s5 =	simm.s32 $0xFFFFFFFF;
	p2 =	slt.u32 s8, $0xFFFFF086  }
0x1c: {  	p1 =	slt.u32 s9, $0xF7A;
	s5 =	simm.s32 @!p2 $0x0  }
0x1d: {  	s5 =	simm.s32 @p1 $0x1;
	p0 =	seq.s32 s7, s2  }
0x1e: {  	s7 =	smul.u32 @!p0 $0xF7A, s2;
	p2 =	seq.s32 @!p0 s5, $0x0  }
0x1f: {  	s9 =	smul.u32 $0xF7A, s1;
	s8 =	simm.s32 @!p0 $0x1BF5;
	p2 =	por !p2, p0  }
0x20: {  	[sflag:s8] =	ssyncset.s32 @!p0 $0xFFFFF086;
	s6 =	sadd.s32 @!p0 s3, s7;
	s7 =	simm.s32 @!p0 $0x108  }
0x21: {  	s3 =	sadd.s32 s3, s9;
	s6 =	sadd.s32 @!p0 $0x88, s6;
	s7 =	simm.s32 @p2 $0x1082  }
0x22: {  	[simem:s7], [sflag:s8] =	dma.local @!p0 [hbm:s6], $0xF7A  }
0x23: {  	s9 =	sor.u32 $0xD0000000, s2;
	s6 =	simm.s32 $0x108;
	_ =	swait.ge @!p0 [sflag:s8], $0x0  }
0x24: {  	s3 =	sadd.s32 $0x88, s3;
	s6 =	simm.s32 @!p1 $0x1082;
	[sflag:s4] =	ssyncset.s32 $0xFFFFF086  }
0x25: {  	[simem:s6], [sflag:s4] =	dma.local [hbm:s3], $0xF7A  }
0x26: {  	[smem:$0x3F9C] =	sst s1;
	(tag) =	ssettag s2;
	_ =	strace s9  }
0x27: {  	s1 =	sld [smem:$0x3FAC]  }
0x28: {  	s2 =	sld [smem:$0x3FAD]  }
0x29: {  	s4 =	sld [smem:$0x3FAF]  }
0x2a: {  	p0 =	seq.s32 s5, $0x0;
	s5 =	sld [smem:$0x3FB0]  }
0x2b: {  	s6 =	sld [smem:$0x3FB1]  }
0x2c: {  	s7 =	sld [smem:$0x3FB2]  }
0x2d: {  	s3 =	simm.s32 $0x108;
	s8 =	sld [smem:$0x3FB3]  }
0x2e: {  	s3 =	simm.s32 @!p0 $0x1082;
	s9 =	sld [smem:$0x3FB4]  }
0x2f: {  	lr =	sadd.s32 s0, s3;
	s0 =	sld [smem:$0x3FAB]  }
0x30: {  	s3 =	sld [smem:$0x3FAE]  }
0x31: {  	[smem:$0x3FB7] =	sst s10  }
0x32: {  	s10 =	sld [smem:$0x3FB5];
	_ =	sdelay $0x3  }
0x33: {  	p0 =	seq.s32 s10, $0x1;
	s10 =	sld [smem:$0x3FB7];
	_ =	sdelay $0x3  }
0x34: {  	[smem:$0x3FB7] =	sst s10  }
0x35: {  	s10 =	sld [smem:$0x3FB6];
	_ =	sdelay $0x3  }
0x36: {  	p1 =	seq.s32 s10, $0x1;
	s10 =	sld [smem:$0x3FB7];
	_ =	sdelay $0x3  }
0x37: {  	[smem:$0x3FB7] =	sst s10  }
0x38: {  	s10 =	sld [smem:$0x3FB8]  }
0x39: {  	_ = 	snop;
	(pc) =	sbr.ind lr, $3  }
0x3a: {  	_ = 	snop  }
0x3b: {  	_ = 	snop  }
0x3c: {  	p2 =	seq.s32 s10, $0x1;
	s10 =	sld [smem:$0x3FB7]  }
0x3d: {  	_ =	shalt  }
0x3e: {  	_ =	shalt  }
0x3f: {  	_ =	shalt  }
0x40: {  	_ =	shalt  }
0x41: {  	_ =	shalt  }
0x42: {  	_ =	shalt  }
0x43: {  	_ =	shalt  }
0x44: {  	_ =	shalt  }
0x45: {  	_ =	shalt  }
0x46: {  	_ =	shalt  }
0x47: {  	_ =	shalt  }
0x48: {  	_ =	shalt  }
0x49: {  	_ =	shalt  }
0x4a: {  	_ =	shalt  }
0x4b: {  	_ =	shalt  }
0x4c: {  	_ =	shalt  }
0x4d: {  	_ =	shalt  }
0x4e: {  	_ =	shalt  }
0x4f: {  	_ =	shalt  }
0x50: {  	_ =	shalt  }
0x51: {  	_ =	shalt  }
0x52: {  	_ =	shalt  }
0x53: {  	_ =	shalt  }
0x54: {  	_ =	shalt  }
0x55: {  	_ =	shalt  }
0x56: {  	_ =	shalt  }
0x57: {  	_ =	shalt  }
0x58: {  	_ =	shalt  }
0x59: {  	_ =	shalt  }
0x5a: {  	_ =	shalt  }
0x5b: {  	_ =	shalt  }
0x5c: {  	_ =	shalt  }
0x5d: {  	_ =	shalt  }
0x5e: {  	_ =	shalt  }
0x5f: {  	_ =	shalt  }
0x60: {  	_ =	shalt  }
0x61: {  	_ =	shalt  }
0x62: {  	_ =	shalt  }
0x63: {  	_ =	shalt  }
0x64: {  	_ =	shalt  }
0x65: {  	_ =	shalt  }
0x66: {  	_ =	shalt  }
0x67: {  	_ =	shalt  }
0x68: {  	_ =	shalt  }
0x69: {  	_ =	shalt  }
0x6a: {  	_ =	shalt  }
0x6b: {  	_ =	shalt  }
0x6c: {  	_ =	shalt  }
0x6d: {  	_ =	shalt  }
0x6e: {  	_ =	shalt  }
0x6f: {  	_ =	shalt  }
0x70: {  	_ =	shalt  }
0x71: {  	_ =	shalt  }
0x72: {  	_ =	shalt  }
0x73: {  	_ =	shalt  }
0x74: {  	_ =	shalt  }
0x75: {  	_ =	shalt  }
0x76: {  	_ =	shalt  }
0x77: {  	_ =	shalt  }
0x78: {  	_ =	shalt  }
0x79: {  	_ =	shalt  }
0x7a: {  	_ =	shalt  }
0x7b: {  	_ =	shalt  }
0x7c: {  	_ =	shalt  }
0x7d: {  	_ =	shalt  }
0x7e: {  	_ =	shalt  }
0x7f: {  	_ =	shalt  }
0x80: {  	_ =	shalt  }
0x81: {  	_ =	shalt  }
0x82: {  	_ =	shalt  }
0x83: {  	_ =	shalt  }
0x84: {  	_ =	shalt  }
0x85: {  	_ =	shalt  }
0x86: {  	_ =	shalt  }
0x87: {  	_ =	shalt  }
.Lfunc_end0:
.L_simem_size_0:
called_computation_lowered:
.L_overlay_start_0:
0x88: {  	s2 =	sld [smem:$0x3FD9]  }
0x89: {  	s3 =	sld [smem:$0x3FFE];
	_ =	sdelay $0x1  }
0x8a: {  	s1 =	srdreg.scid  }
0x8b: {  	s0 =	sand.u32 $0x1, s1  }
0x8c: {  	s14 =	sshll.u32 s0, $0xA;
	s2 =	sadd.s32 s3, s2  }
0x8d: {  	s2 =	sadd.s32 s2, s14  }
0x8e: {  	[smem:$0x3FC3] =	sst s2  }
0x8f: {  	_ = 	snop  }
0x90: {  	s2 =	sld [smem:$0x3FD0];
	_ =	sdelay $0x2  }
0x91: {  	s15 =	simm.s32 $0xA;
	s4 =	simm.s32 $0x10  }
0x92: {  	[smem:s4], [sflag:s15] =	dma.local [hbm:s2], $0x1  }
0x93: {  	_ =	swait.eq [sflag:s15], $0x1  }
0x94: {  	[sflag:s15] =	ssyncset.done $0x0  }
0x95: {  	[sflag:s15] =	ssyncadd.s32 $0xFFFFFFFF  }
0x96: {  	s16 =	sld [smem:$0x11];
	(tm) =	ssettm $0x1  }
0x97: {  	s17 =	sld [smem:$0x3FFB];
	_ =	sdelay $0x3  }
0x98: {  	_ =	strace s17  }
0x99: {  	s3 =	sld [smem:$0x3FFC];
	_ =	sdelay $0x3  }
0x9a: {  	_ =	strace s3  }
0x9b: {  	s3 =	sld [smem:$0x3FFD];
	_ =	sdelay $0x3  }
0x9c: {  	_ =	strace s3  }
0x9d: {  	_ =	strace $0x8FFFFFFF  }
0x9e: {  	s18 =	sld [smem:$0x3FDB];
	_ =	sdelay $0x1  }
0x9f: {  	s19 =	simm.s32 $_scs_section_size  }
0xa0: {  	s5 =	simm.s32 $_size__tile_overlayer_lowered;
	s6 =	simm.s32 $_tile_overlayer_lowered  }
0xa1: {  	s22 =	simm.s32 $0x1BFF;
	s21 =	sshll.u32 s6, $0x1;
	s3 =	sadd.s32 s19, s18  }
0xa2: {  	s7 =	simm.s32 $0x0;
	s20 =	sshll.u32 s5, $0x1;
	s5 =	sadd.s32 s21, s3  }
0xa3: {  	[timem:s7], [sflag:s22] =	dma.local [hbm:s5], s20  }
0xa4: {  	_ =	swait.ge [sflag:s22], s20  }
0xa5: {  	s4 =	ssub.s32 $0x0, s20;
	[sflag:s22] =	ssyncset.done $0x0  }
0xa6: {  	[sflag:s22] =	ssyncadd.s32 s4;
	_ =	sdelay $0x1  }
0xa7: {  	s23 =	simm.s32 $0x1B8B  }
0xa8: {  	_ =	swait.ge [sflag:s23], $0x1  }
0xa9: {  	[sflag:s23] =	ssyncset.done $0x0  }
0xaa: {  	s25 =	simm.s32 $0x1B8E;
	s24 =	sld [smem:$0x3FFE];
	[sflag:s23] =	ssyncadd.s32 $0xFFFFFFFF  }
0xab: {  	s26 =	simm.s32 $execute0_lowered;
	[smem:$0x3FD2] =	sst s25  }
0xac: {  	s5 =	sshll.u32 s26, $0x1;
	_ =	strace $0x80000046;
	[dreg:$0x1] =	wrdreg $0xFFFFFFFF  }
0xad: {  	s28 =	simm.s32 $_size_execute0_lowered;
	s3 =	sadd.s32 s3, s5;
	[dreg:$0x0] =	wrdreg $0x0  }
0xae: {  	s5 =	sshll.u32 s28, $0x1;
	[dreg:$0x2] =	wrdreg s3  }
0xaf: {  	[dreg:$0x3] =	wrdreg s5  }
0xb0: {  	[dreg:$0x4] =	wrdreg $0xC0  }
0xb1: {  	_ =	task [dreg:s7], $0x5FFFF  }
0xb2: {  	[dreg:$0x1] =	wrdreg $0xFFFFFFFF  }
0xb3: {  	[dreg:$0x0] =	wrdreg $0x60  }
0xb4: {  	[dreg:$0x2] =	wrdreg s24  }
0xb5: {  	[dreg:$0x3] =	wrdreg s16  }
0xb6: {  	[dreg:$0x4] =	wrdreg $0x9  }
0xb7: {  	_ =	task.clear_ibuf [dreg:s7], $0x5FFFF;
	_ =	strace $0x90000046  }
0xb8: {  	s29 =	simm.s32 $0x9;
	_ =	strace $0x80000048  }
0xb9: {  	_ =	swait.ge [sflag:s29], $0x1  }
0xba: {  	[sflag:s29] =	ssyncadd.s32 $0xFFFFFFFF  }
0xbb: {  	_ =	strace $0x90000048  }
0xbc: {  	_ =	sfence  }
0xbd: {  	s30 =	sld [smem:$0x0];
	_ =	sdelay $0x2  }
0xbe: {  	s31 =	sshll.u32 s1, $0xD;
	s1 =	sshrl.u32 s1, $0x2  }
0xbf: {  	s3 =	sand.u32 $0x4000, s31;
	s1 =	sadd.s32 s1, s30  }
0xc0: {  	s0 =	sor.u32 s3, s0;
	s1 =	sshll.u32 s1, $0x11  }
0xc1: {  	s0 =	sor.u32 s1, s0  }
0xc2: {  	s0 =	sadd.s32 $0x8F2B, s0  }
0xc3: {  	[sflag:s0] =	ssyncadd.remote.s32 $0x1  }
0xc4: {  	_ =	sfence.sel $0xFFFF  }
0xc5: {  	[dreg:$0x0] =	wrdreg $0xFFFFFFFF;
	(pc) =	sbr.abs _section_cstart, $3  }
0xc6: {  	[dreg:$0x1] =	wrdreg $0xFFFFFFFF  }
0xc7: {  	_ =	task.clear_ibuf [dreg:s7], $0x2FFFF;
	_ =	strace $0x9FFFFFFF  }
0xc8: {  	(tm) =	ssettm $0x7FFFFFFF  }
0xc9: {  	_ =	shalt  }
tec
execute0_lowered:
.L_overlay_start_1:
0x0: {  	(tag) =	ssettag $0x1  }
0x1: {  	s3 =	rddreg [dreg:$0x0]  }
0x2: {  	s6 =	rddreg [dreg:$0x1];
	s2 =	srdreg.scid  }
0x3: {  	s0 =	rddreg [dreg:$0x2];
	s1 =	stileid.u32;
	s8 =	sand.u32 $0x1, s2  }
0x4: {  	s2 =	simm.s32 $0x0;
	s4 =	sshll.u32 s1, $0x7;
	s5 =	sshll.u32 s8, $0x6  }
0x5: {  	s3 =	sadd.s32 $0x1000, s3;
	[smem:$0x7FF] =	sst s2;
	s4 =	sor.u32 s5, s4  }
0x6: {  	s10 =	ssub.s32 $0x2, s8;
	_ =	strace $0x80000047;
	s5 =	smul.u32 $0x300, s4  }
0x7: {  	s11 =	sshrl.u32 s10, $0x1;
	s7 =	smul.u32 $0x1800, s4;
	s4 =	simm.s32 $0x2  }
0x8: {  	[tilespmem:s2], [sflag:$0x2] =	stream.linear.gather [hbm4b:s3+s2], $0x10000, $0x38;
	[tilespmem:$0x10000] =	vst v63  }
0x9: {  	s10 =	ssub.s32 s10, s11;
	_ =	swait.ge [sflag:s4], $0x10000  }
0xa: {  	s10 =	smax.u32 s10, $0x1;
	s5 =	sadd.s32 s5, s6;
	s7 =	sshrl.u32 s7, $0x3  }
0xb: {  	[sflag:s4] =	ssyncset.done $0x0;
	s5 =	sadd.s32 $0x100, s5;
	s9 =	sadd.s32 s6, s7  }
0xc: {  	s6 =	simm.s32 $0x400;
	s7 =	simm.s32 $0xC00;
	[sflag:s4] =	ssyncadd.s32 $0xFFFF0000  }
0xd: {  	[hbm4b:s5+s6] =	stream.strided.scatter [tilespmem:s2], [sflag:$0x1], $0x10000, s7, s6, $0x38;
	[tilespmem:$0x10000] =	vst v63  }
0xe: {  	s8 =	simm.s32 $0x1;
	p0 =	sne.s32 s10, $0x1;
	s9 =	sadd.s32 $0x6100, s9  }
0xf: {  	[hbm4b:s9+s6] =	stream.strided.scatter [tilespmem:s2], [sflag:$0x1], $0x10000, s7, s6, $0x38;
	[tilespmem:$0x10000] =	vst v63  }
.Ltmp0:
0x10: {  	_ =	swait.ge [sflag:s8], $0x10000;
	(pc) =	sbr.rel @!p0 .LBB2_2-.Ltmp0, $4  }
0x11: {  	[sflag:s8] =	ssyncset.done $0x0  }
0x12: {  	[sflag:s8] =	ssyncadd.s32 $0xFFFF0000  }
0x13: {  	_ =	swait.ge [sflag:s8], $0x10000  }
0x14: {  	s10 =	sadd.s32 $0xFFFFFFFF, s10;
	[sflag:s8] =	ssyncset.done $0x0  }
.LBB2_1:
0x15: {  	p0 =	sne.s32 s10, $0x1;
	s10 =	sadd.s32 $0xFFFFFFFF, s10;
	[sflag:s8] =	ssyncadd.s32 $0xFFFF0000  }
0x16: {  	[tilespmem:s2], [sflag:$0x2] =	stream.linear.gather [hbm4b:s3+s2], $0x10000, $0x38;
	[tilespmem:$0x10000] =	vst v63  }
0x17: {  	_ =	swait.ge [sflag:s4], $0x10000  }
0x18: {  	[sflag:s4] =	ssyncset.done $0x0  }
0x19: {  	[sflag:s4] =	ssyncadd.s32 $0xFFFF0000  }
0x1a: {  	[hbm4b:s5+s6] =	stream.strided.scatter [tilespmem:s2], [sflag:$0x1], $0x10000, s7, s6, $0x38;
	[tilespmem:$0x10000] =	vst v63  }
0x1b: {  	_ = 	snop  }
0x1c: {  	[hbm4b:s9+s6] =	stream.strided.scatter [tilespmem:s2], [sflag:$0x1], $0x10000, s7, s6, $0x38;
	[tilespmem:$0x10000] =	vst v63  }
.Ltmp1:
0x1d: {  	_ =	swait.ge [sflag:s8], $0x10000;
	(pc) =	sbr.rel @p0 .LBB2_1-.Ltmp1, $4  }
0x1e: {  	[sflag:s8] =	ssyncset.done $0x0  }
0x1f: {  	[sflag:s8] =	ssyncadd.s32 $0xFFFF0000  }
0x20: {  	_ =	swait.ge [sflag:s8], $0x10000  }
0x21: {  	[sflag:s8] =	ssyncset.done $0x0  }
.LBB2_2:
0x22: {  	[sflag:s8] =	ssyncadd.s32 $0xFFFF0000  }
0x23: {  	_ =	sfence.sel $0x180000  }
0x24: {  	[bflag:$0x0] =	sbarrier.arrive $0xFFFF  }
0x25: {  	p0 =	sne.s32 s1, $0x0;
	_ =	strace $0x90000047  }
0x26: {  	s0 =	sadd.s32 @!p0 $0x100000, s0;
	[bflag:$0x2] =	sbarrier.arrive $0xFFFF  }
0x27: {  	[sflag:s0] =	ssyncadd.tile.s32 @!p0 $0x1;
	_ =	shalt  }
.Lfunc_end2:
_tile_overlayer_lowered:
.L_overlay_start_2:
0x28: {  	(tag) =	ssettag $0x2  }
0x29: {  	s0 =	rddreg [dreg:$0x0];
	s2 =	stileid.u32  }
0x2a: {  	s1 =	rddreg [dreg:$0x1];
	p0 =	sne.s32 s2, $0x0  }
0x2b: {  	s3 =	rddreg [dreg:$0x2];
	[bflag:$0x3] =	sbarrier.arrive $0xFFFF;
	s2 =	simm.s32 @!p0 $0x1C02  }
0x2c: {  	[timem:s3], [sflag:s2] =	dma.local @!p0 [hbm:s0], s1  }
0x2d: {  	s0 =	simm.s32 @!p0 $0x2  }
0x2e: {  	_ =	swait.ge @!p0 [sflag:s0], s1  }
0x2f: {  	s1 =	ssub.s32 @!p0 $0x0, s1;
	[sflag:s0] =	ssyncset.done @!p0 $0x0  }
0x30: {  	[sflag:s0] =	ssyncadd.s32 @!p0 s1  }
0x31: {  	[bflag:$0x3] =	sbarrier.arrive $0xFFFF  }
0x32: {  	_ =	shalt  }

</sc_bundles>
